<compile_context>
chip_gen: v7x
topology: tpu7x:2x2x1
jax: 0.10.2.dev20260603
libtpu: 0.0.44.dev20260713+nightly
codegen_flags: <defaults>
</compile_context>

<pallas_src>
import functools

import jax
import jax.numpy as jnp
from jax import lax
from jax.experimental import pallas as pl
from jax.experimental.pallas import tpu as pltpu
from jax.experimental.pallas import tpu_sc as plsc

V = 100000
D = 128
L = 200



def _sc_body(ctx_hbm, tab_hbm, out_hbm, idx_v, rows_v, vsum_v, sem):
    cid = lax.axis_index("c")
    sid = lax.axis_index("s")

    @pl.when(jnp.logical_and(cid == 0, sid == 0))
    def _():
        pltpu.sync_copy(ctx_hbm, idx_v)
        cp0 = pltpu.async_copy(
            tab_hbm.at[idx_v.at[pl.ds(0, 128)]], rows_v.at[pl.ds(0, 128)], sem
        )
        cp1 = pltpu.async_copy(
            tab_hbm.at[idx_v.at[pl.ds(128, L - 128)]],
            rows_v.at[pl.ds(128, L - 128)],
            sem,
        )
        cp0.wait()
        cp1.wait()

        def sum_body(i, acc):
            return tuple(
                acc[j] + rows_v[i, pl.ds(j * 16, 16)] for j in range(D // 16)
            )

        acc = lax.fori_loop(
            0,
            L,
            sum_body,
            tuple(jnp.zeros((16,), jnp.float32) for _ in range(D // 16)),
        )
        scale = jnp.float32(1.0 / L)
        for j in range(D // 16):
            vsum_v[0, pl.ds(j * 16, 16)] = acc[j] * scale
        pltpu.sync_copy(vsum_v, out_hbm)


@functools.cache
def _sc_gather_mean():
    return pl.kernel(
        _sc_body,
        out_type=jax.ShapeDtypeStruct((1, D), jnp.float32),
        mesh=plsc.VectorSubcoreMesh(core_axis_name="c", subcore_axis_name="s"),
        scratch_types=[
            pltpu.VMEM((L,), jnp.int32),
            pltpu.VMEM((L, D), jnp.float32),
            pltpu.VMEM((1, D), jnp.float32),
            pltpu.SemaphoreType.DMA,
        ],
    )

BLK = 3200
NS = 4
NB = -(-V // BLK)
NH = NB // NS
VT = V - (NB - 1) * BLK
assert NB % NS == 0


def _tc1_body(*refs):
    v_ref = refs[0]
    w_refs = refs[1 : 1 + NS]
    b_refs = refs[1 + NS : 1 + 2 * NS]
    out_ref = refs[1 + 2 * NS]
    acc_ref = refs[2 + 2 * NS]
    i = pl.program_id(0)

    @pl.when(i == 0)
    def _():
        acc_ref[0] = -jnp.inf
        acc_ref[1] = 0.0

    vm = lax.transpose(jnp.broadcast_to(v_ref[...], (8, D)), (1, 0))
    dn = (((1,), (0,)), ((), ()))
    los, valids, bmaxs = [], [], []
    for k in range(NS):
        lo_col = lax.dot_general(
            w_refs[k][...], vm, dn, preferred_element_type=jnp.float32
        )
        lo = lax.transpose(lo_col, (1, 0))[0:1, :]
        lo = lo + b_refs[k][...]
        base = (i + k * NH) * BLK
        if k == NS - 1:
            @pl.when(i < NH - 1)
            def _(lo=lo, base=base):
                out_ref[:, pl.ds(base, BLK)] = lo

            @pl.when(i == NH - 1)
            def _(lo=lo, base=base):
                out_ref[:, pl.ds(base, VT)] = lo[:, :VT]
        else:
            out_ref[:, pl.ds(base, BLK)] = lo
        pos = lax.broadcasted_iota(jnp.int32, (1, BLK), 1) + base
        valid = pos < V
        los.append(lo)
        valids.append(valid)
        bmaxs.append(jnp.max(jnp.where(valid, lo, -jnp.inf)))

    m_old = acc_ref[0]
    s_old = acc_ref[1]
    m_new = m_old
    for bm in bmaxs:
        m_new = jnp.maximum(m_new, bm)
    s_new = s_old * jnp.exp(m_old - m_new)
    for lo, valid in zip(los, valids):
        s_new = s_new + jnp.sum(jnp.where(valid, jnp.exp(lo - m_new), 0.0))
    acc_ref[0] = m_new
    acc_ref[1] = s_new

    @pl.when(i == NH - 1)
    def _():
        lse = m_new + jnp.log(s_new)
        out_ref[...] = out_ref[...] - lse


def _mk_w_spec(k):
    return pl.BlockSpec((BLK, D), lambda i, k=k: (i + k * NH, 0))


def _mk_b_spec(k):
    return pl.BlockSpec((1, BLK), lambda i, k=k: (0, i + k * NH))


_tc_matvec_lse = pl.pallas_call(
    _tc1_body,
    grid=(NH,),
    in_specs=(
        [pl.BlockSpec((1, D), lambda i: (0, 0))]
        + [_mk_w_spec(k) for k in range(NS)]
        + [_mk_b_spec(k) for k in range(NS)]
    ),
    out_specs=pl.BlockSpec((1, V), lambda i: (0, 0)),
    out_shape=jax.ShapeDtypeStruct((1, V), jnp.float32),
    scratch_shapes=[
        pltpu.SMEM((2,), jnp.float32),
    ],
    compiler_params=pltpu.CompilerParams(
        dimension_semantics=("arbitrary",)
    ),
)


def kernel(context, emb_table, W, b):
    context = context.astype(jnp.int32)
    v = _sc_gather_mean()(context, emb_table)
    b2 = b.reshape(1, V)
    return _tc_matvec_lse(v, *([W] * NS), *([b2] * NS))

# --- scband reference (transcript-rebuilt; emitter-appended) ---
"""Pipeline reference for scband-cbow-14611478741089 (READ-ONLY COPY).

The authoritative reference and input builder live on the scoring server;
editing this copy changes nothing except your own understanding.
"""

import jax, jax.numpy as jnp
import numpy as np

VOCAB = 100000
EMBED_DIM = 128
CTX_LEN = 200


def setup_inputs(seed: int = 0) -> dict:
    key = jax.random.key(seed)
    k1, k2, k3 = jax.random.split(key, 3)
    context = jax.random.randint(k1, (CTX_LEN,), 0, VOCAB)
    emb_table = jax.random.normal(k2, (VOCAB, EMBED_DIM), dtype=jnp.float32) * 0.02
    W = jax.random.normal(k3, (VOCAB, EMBED_DIM), dtype=jnp.float32) * 0.02
    b = jnp.zeros((VOCAB,), dtype=jnp.float32)
    return {"context": context, "emb_table": emb_table, "W": W, "b": b}


def reference(context, emb_table, W, b):
    # nn.Embedding lookup: gather rows of emb_table
    embeds = jnp.take(emb_table, context, axis=0)          # [L, D]
    # torch.mean(embeds, dim=0).view(1, -1)
    combined = jnp.mean(embeds, axis=0).reshape(1, -1)      # [1, D]
    # nn.Linear(embedding_dim, vocab_size): x @ W.T + b
    out = combined @ W.T + b                                 # [1, VOCAB]
    log_probs = jax.nn.log_softmax(out, axis=1)
    return log_probs

if __name__ == "__main__":
    import jax
    _d = setup_inputs()
    print(jax.jit(kernel)(*tuple(_d.values())))

</pallas_src>

<mosaic_0001>
#map = affine_map<(d0, d1) -> (0)>
#map1 = affine_map<(d0, d1) -> (0, 0)>
module attributes {stable_mosaic.version = 14 : i64} {
  func.func @_sc_body(%arg0: i32, %arg1: i32, %arg2: memref<200xi32, #tpu.memory_space<hbm>>, %arg3: memref<100000x128xf32, #tpu.memory_space<hbm>>, %arg4: memref<1x128xf32, #tpu.memory_space<hbm>>, %arg5: memref<200xi32, #tpu.memory_space<vmem>>, %arg6: memref<200x128xf32, #tpu.memory_space<vmem>>, %arg7: memref<1x128xf32, #tpu.memory_space<vmem>>, %arg8: memref<!tpu.dma_semaphore, #tpu.memory_space<semaphore_mem>>) attributes {dimension_semantics = [#tpu.dimension_semantics<core_parallel>, #tpu.dimension_semantics<subcore_parallel>], iteration_bounds = array<i64: 2, 16>, scalar_prefetch = 0 : i64, scratch_operands = 4 : i64, tpu.core_type = #tpu.core_type<sc_vector_subcore>, window_params = [{transform_indices = #map}, {transform_indices = #map1}, {transform_indices = #map1}]} {
    %eq3A = arith.constant 0 : i32
    %eq3A_0 = arith.cmpi eq, %arg0, %eq3A : i32
    %eq3A_1 = arith.constant 0 : i32
    %eq3A_2 = arith.cmpi eq, %arg1, %eq3A_1 : i32
    %and3A = arith.andi %eq3A_0, %eq3A_2 : i1
    %convert_element_type3A = arith.extui %and3A : i1 to i32
    %cond3A = arith.constant 0 : i32
    %cond3A_3 = arith.cmpi ne, %convert_element_type3A, %cond3A : i32
    scf.if %cond3A_3 {
      "tpu.region"() ({
        %run_scoped3A = tpu.sem_alloc : memref<!tpu.dma_semaphore, #tpu.memory_space<semaphore_mem>>
        tpu.enqueue_dma source(%arg2 : memref<200xi32, #tpu.memory_space<hbm>>) target(%arg5 : memref<200xi32, #tpu.memory_space<vmem>>) target_semaphore(%run_scoped3A : memref<!tpu.dma_semaphore, #tpu.memory_space<semaphore_mem>>)
        tpu.wait_dma2 semaphore(%run_scoped3A : memref<!tpu.dma_semaphore, #tpu.memory_space<semaphore_mem>>) src(%arg2 : memref<200xi32, #tpu.memory_space<hbm>>) dst(%arg5 : memref<200xi32, #tpu.memory_space<vmem>>)
        tpu.yield
      }) : () -> ()
      %dma_start3A = arith.constant 0 : i32
      %dma_start3A_4 = arith.constant 0 : i32
      %dma_start3A_5 = tpu.memref_slice %arg6[%dma_start3A, %dma_start3A_4] : memref<200x128xf32, #tpu.memory_space<vmem>> -> memref<128x128xf32, #tpu.memory_space<vmem>>
      %dma_start3A_6 = arith.constant 0 : i32
      %dma_start3A_7 = tpu.memref_slice %arg5[%dma_start3A_6] : memref<200xi32, #tpu.memory_space<vmem>> -> memref<128xi32, #tpu.memory_space<vmem>>
      %dma_start3A_8 = arith.constant 0 : i32
      %dma_start3A_9 = arith.constant 0 : i32
      %dma_start3A_10 = tpu.memref_slice %arg3[%dma_start3A_8, %dma_start3A_9] : memref<100000x128xf32, #tpu.memory_space<hbm>> -> memref<100000x128xf32, #tpu.memory_space<hbm>>
      tpu.enqueue_indirect_dma source(%dma_start3A_10 : memref<100000x128xf32, #tpu.memory_space<hbm>>) target(%dma_start3A_5 : memref<128x128xf32, #tpu.memory_space<vmem>>) offsets(%dma_start3A_7 : memref<128xi32, #tpu.memory_space<vmem>>) semaphore(%arg8 : memref<!tpu.dma_semaphore, #tpu.memory_space<semaphore_mem>>)
      %dma_start3A_11 = arith.constant 128 : i32
      %dma_start3A_12 = arith.constant 0 : i32
      %dma_start3A_13 = tpu.memref_slice %arg6[%dma_start3A_11, %dma_start3A_12] : memref<200x128xf32, #tpu.memory_space<vmem>> -> memref<72x128xf32, #tpu.memory_space<vmem>>
      %dma_start3A_14 = arith.constant 128 : i32
      %dma_start3A_15 = tpu.memref_slice %arg5[%dma_start3A_14] : memref<200xi32, #tpu.memory_space<vmem>> -> memref<72xi32, #tpu.memory_space<vmem>>
      %dma_start3A_16 = arith.constant 0 : i32
      %dma_start3A_17 = arith.constant 0 : i32
      %dma_start3A_18 = tpu.memref_slice %arg3[%dma_start3A_16, %dma_start3A_17] : memref<100000x128xf32, #tpu.memory_space<hbm>> -> memref<100000x128xf32, #tpu.memory_space<hbm>>
      tpu.enqueue_indirect_dma source(%dma_start3A_18 : memref<100000x128xf32, #tpu.memory_space<hbm>>) target(%dma_start3A_13 : memref<72x128xf32, #tpu.memory_space<vmem>>) offsets(%dma_start3A_15 : memref<72xi32, #tpu.memory_space<vmem>>) semaphore(%arg8 : memref<!tpu.dma_semaphore, #tpu.memory_space<semaphore_mem>>)
      %dma_wait3A = arith.constant 0 : i32
      %dma_wait3A_19 = arith.constant 0 : i32
      %dma_wait3A_20 = tpu.memref_slice %arg6[%dma_wait3A, %dma_wait3A_19] : memref<200x128xf32, #tpu.memory_space<vmem>> -> memref<128x128xf32, #tpu.memory_space<vmem>>
      %dma_wait3A_21 = arith.constant 0 : i32
      %dma_wait3A_22 = tpu.memref_slice %arg5[%dma_wait3A_21] : memref<200xi32, #tpu.memory_space<vmem>> -> memref<128xi32, #tpu.memory_space<vmem>>
      %dma_wait3A_23 = arith.constant 0 : i32
      %dma_wait3A_24 = arith.constant 0 : i32
      %dma_wait3A_25 = tpu.memref_slice %arg3[%dma_wait3A_23, %dma_wait3A_24] : memref<100000x128xf32, #tpu.memory_space<hbm>> -> memref<100000x128xf32, #tpu.memory_space<hbm>>
      tpu.wait_indirect_dma semaphore(%arg8 : memref<!tpu.dma_semaphore, #tpu.memory_space<semaphore_mem>>) src(%dma_wait3A_25 : memref<100000x128xf32, #tpu.memory_space<hbm>>) dst(%dma_wait3A_20 : memref<128x128xf32, #tpu.memory_space<vmem>>)
      %dma_wait3A_26 = arith.constant 128 : i32
      %dma_wait3A_27 = arith.constant 0 : i32
      %dma_wait3A_28 = tpu.memref_slice %arg6[%dma_wait3A_26, %dma_wait3A_27] : memref<200x128xf32, #tpu.memory_space<vmem>> -> memref<72x128xf32, #tpu.memory_space<vmem>>
      %dma_wait3A_29 = arith.constant 128 : i32
      %dma_wait3A_30 = tpu.memref_slice %arg5[%dma_wait3A_29] : memref<200xi32, #tpu.memory_space<vmem>> -> memref<72xi32, #tpu.memory_space<vmem>>
      %dma_wait3A_31 = arith.constant 0 : i32
      %dma_wait3A_32 = arith.constant 0 : i32
      %dma_wait3A_33 = tpu.memref_slice %arg3[%dma_wait3A_31, %dma_wait3A_32] : memref<100000x128xf32, #tpu.memory_space<hbm>> -> memref<100000x128xf32, #tpu.memory_space<hbm>>
      tpu.wait_indirect_dma semaphore(%arg8 : memref<!tpu.dma_semaphore, #tpu.memory_space<semaphore_mem>>) src(%dma_wait3A_33 : memref<100000x128xf32, #tpu.memory_space<hbm>>) dst(%dma_wait3A_28 : memref<72x128xf32, #tpu.memory_space<vmem>>)
      %broadcast_in_dim3A = arith.constant 0.000000e+00 : f32
      %broadcast_in_dim3A_34 = vector.broadcast %broadcast_in_dim3A : f32 to vector<16xf32>
      %broadcast_in_dim3A_35 = arith.constant 0.000000e+00 : f32
      %broadcast_in_dim3A_36 = vector.broadcast %broadcast_in_dim3A_35 : f32 to vector<16xf32>
      %broadcast_in_dim3A_37 = arith.constant 0.000000e+00 : f32
      %broadcast_in_dim3A_38 = vector.broadcast %broadcast_in_dim3A_37 : f32 to vector<16xf32>
      %broadcast_in_dim3A_39 = arith.constant 0.000000e+00 : f32
      %broadcast_in_dim3A_40 = vector.broadcast %broadcast_in_dim3A_39 : f32 to vector<16xf32>
      %broadcast_in_dim3A_41 = arith.constant 0.000000e+00 : f32
      %broadcast_in_dim3A_42 = vector.broadcast %broadcast_in_dim3A_41 : f32 to vector<16xf32>
      %broadcast_in_dim3A_43 = arith.constant 0.000000e+00 : f32
      %broadcast_in_dim3A_44 = vector.broadcast %broadcast_in_dim3A_43 : f32 to vector<16xf32>
      %broadcast_in_dim3A_45 = arith.constant 0.000000e+00 : f32
      %broadcast_in_dim3A_46 = vector.broadcast %broadcast_in_dim3A_45 : f32 to vector<16xf32>
      %broadcast_in_dim3A_47 = arith.constant 0.000000e+00 : f32
      %broadcast_in_dim3A_48 = vector.broadcast %broadcast_in_dim3A_47 : f32 to vector<16xf32>
      %scan3A = arith.constant 0 : i32
      %scan3A_49 = arith.constant 200 : i32
      %scan3A_50 = arith.addi %scan3A, %scan3A_49 : i32
      %scan3A_51 = arith.constant 1 : i32
      %scan3A_52:8 = scf.for %scan3A_124 = %scan3A to %scan3A_50 step %scan3A_51 iter_args(%scan3A_125 = %broadcast_in_dim3A_34, %scan3A_126 = %broadcast_in_dim3A_36, %scan3A_127 = %broadcast_in_dim3A_38, %scan3A_128 = %broadcast_in_dim3A_40, %scan3A_129 = %broadcast_in_dim3A_42, %scan3A_130 = %broadcast_in_dim3A_44, %scan3A_131 = %broadcast_in_dim3A_46, %scan3A_132 = %broadcast_in_dim3A_48) -> (vector<16xf32>, vector<16xf32>, vector<16xf32>, vector<16xf32>, vector<16xf32>, vector<16xf32>, vector<16xf32>, vector<16xf32>)  : i32 {
        %get3A = arith.index_cast %scan3A_124 : i32 to index
        %get3A_133 = arith.constant 0 : index
        %get3A_134 = tpu.vector_load %arg6[%get3A, %get3A_133] {strides = array<i32>} : memref<200x128xf32, #tpu.memory_space<vmem>>, vector<1x16xf32>,
        %get3A_135 = vector.shape_cast %get3A_134 : vector<1x16xf32> to vector<16xf32>
        %add3A = arith.addf %scan3A_125, %get3A_135 : vector<16xf32>
        %get3A_136 = arith.index_cast %scan3A_124 : i32 to index
        %get3A_137 = arith.constant 16 : index
        %get3A_138 = tpu.vector_load %arg6[%get3A_136, %get3A_137] {strides = array<i32>} : memref<200x128xf32, #tpu.memory_space<vmem>>, vector<1x16xf32>,
        %get3A_139 = vector.shape_cast %get3A_138 : vector<1x16xf32> to vector<16xf32>
        %add3A_140 = arith.addf %scan3A_126, %get3A_139 : vector<16xf32>
        %get3A_141 = arith.index_cast %scan3A_124 : i32 to index
        %get3A_142 = arith.constant 32 : index
        %get3A_143 = tpu.vector_load %arg6[%get3A_141, %get3A_142] {strides = array<i32>} : memref<200x128xf32, #tpu.memory_space<vmem>>, vector<1x16xf32>,
        %get3A_144 = vector.shape_cast %get3A_143 : vector<1x16xf32> to vector<16xf32>
        %add3A_145 = arith.addf %scan3A_127, %get3A_144 : vector<16xf32>
        %get3A_146 = arith.index_cast %scan3A_124 : i32 to index
        %get3A_147 = arith.constant 48 : index
        %get3A_148 = tpu.vector_load %arg6[%get3A_146, %get3A_147] {strides = array<i32>} : memref<200x128xf32, #tpu.memory_space<vmem>>, vector<1x16xf32>,
        %get3A_149 = vector.shape_cast %get3A_148 : vector<1x16xf32> to vector<16xf32>
        %add3A_150 = arith.addf %scan3A_128, %get3A_149 : vector<16xf32>
        %get3A_151 = arith.index_cast %scan3A_124 : i32 to index
        %get3A_152 = arith.constant 64 : index
        %get3A_153 = tpu.vector_load %arg6[%get3A_151, %get3A_152] {strides = array<i32>} : memref<200x128xf32, #tpu.memory_space<vmem>>, vector<1x16xf32>,
        %get3A_154 = vector.shape_cast %get3A_153 : vector<1x16xf32> to vector<16xf32>
        %add3A_155 = arith.addf %scan3A_129, %get3A_154 : vector<16xf32>
        %get3A_156 = arith.index_cast %scan3A_124 : i32 to index
        %get3A_157 = arith.constant 80 : index
        %get3A_158 = tpu.vector_load %arg6[%get3A_156, %get3A_157] {strides = array<i32>} : memref<200x128xf32, #tpu.memory_space<vmem>>, vector<1x16xf32>,
        %get3A_159 = vector.shape_cast %get3A_158 : vector<1x16xf32> to vector<16xf32>
        %add3A_160 = arith.addf %scan3A_130, %get3A_159 : vector<16xf32>
        %get3A_161 = arith.index_cast %scan3A_124 : i32 to index
        %get3A_162 = arith.constant 96 : index
        %get3A_163 = tpu.vector_load %arg6[%get3A_161, %get3A_162] {strides = array<i32>} : memref<200x128xf32, #tpu.memory_space<vmem>>, vector<1x16xf32>,
        %get3A_164 = vector.shape_cast %get3A_163 : vector<1x16xf32> to vector<16xf32>
        %add3A_165 = arith.addf %scan3A_131, %get3A_164 : vector<16xf32>
        %get3A_166 = arith.index_cast %scan3A_124 : i32 to index
        %get3A_167 = arith.constant 112 : index
        %get3A_168 = tpu.vector_load %arg6[%get3A_166, %get3A_167] {strides = array<i32>} : memref<200x128xf32, #tpu.memory_space<vmem>>, vector<1x16xf32>,
        %get3A_169 = vector.shape_cast %get3A_168 : vector<1x16xf32> to vector<16xf32>
        %add3A_170 = arith.addf %scan3A_132, %get3A_169 : vector<16xf32>
        scf.yield %add3A, %add3A_140, %add3A_145, %add3A_150, %add3A_155, %add3A_160, %add3A_165, %add3A_170 : vector<16xf32>, vector<16xf32>, vector<16xf32>, vector<16xf32>, vector<16xf32>, vector<16xf32>, vector<16xf32>, vector<16xf32>
      }
      %scan3A_53 = arith.constant 200 : i32
      %mul3A = arith.constant 5.000000e-03 : f32
      %mul3A_54 = vector.broadcast %mul3A : f32 to vector<16xf32>
      %mul3A_55 = arith.mulf %scan3A_52#0, %mul3A_54 : vector<16xf32>
      %swap3A = arith.constant 0 : i32
      %swap3A_56 = arith.index_cast %swap3A : i32 to index
      %swap3A_57 = arith.constant 0 : index
      %swap3A_58 = tpu.vector_load %arg7[%swap3A_56, %swap3A_57] {strides = array<i32>} : memref<1x128xf32, #tpu.memory_space<vmem>>, vector<1x16xf32>,
      %swap3A_59 = vector.shape_cast %swap3A_58 : vector<1x16xf32> to vector<16xf32>
      %swap3A_60 = vector.shape_cast %mul3A_55 : vector<16xf32> to vector<1x16xf32>
      tpu.vector_store %arg7[%swap3A_56, %swap3A_57], %swap3A_60 {strides = array<i32>} : memref<1x128xf32, #tpu.memory_space<vmem>>, vector<1x16xf32>,
      %mul3A_61 = arith.constant 5.000000e-03 : f32
      %mul3A_62 = vector.broadcast %mul3A_61 : f32 to vector<16xf32>
      %mul3A_63 = arith.mulf %scan3A_52#1, %mul3A_62 : vector<16xf32>
      %swap3A_64 = arith.constant 0 : i32
      %swap3A_65 = arith.index_cast %swap3A_64 : i32 to index
      %swap3A_66 = arith.constant 16 : index
      %swap3A_67 = tpu.vector_load %arg7[%swap3A_65, %swap3A_66] {strides = array<i32>} : memref<1x128xf32, #tpu.memory_space<vmem>>, vector<1x16xf32>,
      %swap3A_68 = vector.shape_cast %swap3A_67 : vector<1x16xf32> to vector<16xf32>
      %swap3A_69 = vector.shape_cast %mul3A_63 : vector<16xf32> to vector<1x16xf32>
      tpu.vector_store %arg7[%swap3A_65, %swap3A_66], %swap3A_69 {strides = array<i32>} : memref<1x128xf32, #tpu.memory_space<vmem>>, vector<1x16xf32>,
      %mul3A_70 = arith.constant 5.000000e-03 : f32
      %mul3A_71 = vector.broadcast %mul3A_70 : f32 to vector<16xf32>
      %mul3A_72 = arith.mulf %scan3A_52#2, %mul3A_71 : vector<16xf32>
      %swap3A_73 = arith.constant 0 : i32
      %swap3A_74 = arith.index_cast %swap3A_73 : i32 to index
      %swap3A_75 = arith.constant 32 : index
      %swap3A_76 = tpu.vector_load %arg7[%swap3A_74, %swap3A_75] {strides = array<i32>} : memref<1x128xf32, #tpu.memory_space<vmem>>, vector<1x16xf32>,
      %swap3A_77 = vector.shape_cast %swap3A_76 : vector<1x16xf32> to vector<16xf32>
      %swap3A_78 = vector.shape_cast %mul3A_72 : vector<16xf32> to vector<1x16xf32>
      tpu.vector_store %arg7[%swap3A_74, %swap3A_75], %swap3A_78 {strides = array<i32>} : memref<1x128xf32, #tpu.memory_space<vmem>>, vector<1x16xf32>,
      %mul3A_79 = arith.constant 5.000000e-03 : f32
      %mul3A_80 = vector.broadcast %mul3A_79 : f32 to vector<16xf32>
      %mul3A_81 = arith.mulf %scan3A_52#3, %mul3A_80 : vector<16xf32>
      %swap3A_82 = arith.constant 0 : i32
      %swap3A_83 = arith.index_cast %swap3A_82 : i32 to index
      %swap3A_84 = arith.constant 48 : index
      %swap3A_85 = tpu.vector_load %arg7[%swap3A_83, %swap3A_84] {strides = array<i32>} : memref<1x128xf32, #tpu.memory_space<vmem>>, vector<1x16xf32>,
      %swap3A_86 = vector.shape_cast %swap3A_85 : vector<1x16xf32> to vector<16xf32>
      %swap3A_87 = vector.shape_cast %mul3A_81 : vector<16xf32> to vector<1x16xf32>
      tpu.vector_store %arg7[%swap3A_83, %swap3A_84], %swap3A_87 {strides = array<i32>} : memref<1x128xf32, #tpu.memory_space<vmem>>, vector<1x16xf32>,
      %mul3A_88 = arith.constant 5.000000e-03 : f32
      %mul3A_89 = vector.broadcast %mul3A_88 : f32 to vector<16xf32>
      %mul3A_90 = arith.mulf %scan3A_52#4, %mul3A_89 : vector<16xf32>
      %swap3A_91 = arith.constant 0 : i32
      %swap3A_92 = arith.index_cast %swap3A_91 : i32 to index
      %swap3A_93 = arith.constant 64 : index
      %swap3A_94 = tpu.vector_load %arg7[%swap3A_92, %swap3A_93] {strides = array<i32>} : memref<1x128xf32, #tpu.memory_space<vmem>>, vector<1x16xf32>,
      %swap3A_95 = vector.shape_cast %swap3A_94 : vector<1x16xf32> to vector<16xf32>
      %swap3A_96 = vector.shape_cast %mul3A_90 : vector<16xf32> to vector<1x16xf32>
      tpu.vector_store %arg7[%swap3A_92, %swap3A_93], %swap3A_96 {strides = array<i32>} : memref<1x128xf32, #tpu.memory_space<vmem>>, vector<1x16xf32>,
      %mul3A_97 = arith.constant 5.000000e-03 : f32
      %mul3A_98 = vector.broadcast %mul3A_97 : f32 to vector<16xf32>
      %mul3A_99 = arith.mulf %scan3A_52#5, %mul3A_98 : vector<16xf32>
      %swap3A_100 = arith.constant 0 : i32
      %swap3A_101 = arith.index_cast %swap3A_100 : i32 to index
      %swap3A_102 = arith.constant 80 : index
      %swap3A_103 = tpu.vector_load %arg7[%swap3A_101, %swap3A_102] {strides = array<i32>} : memref<1x128xf32, #tpu.memory_space<vmem>>, vector<1x16xf32>,
      %swap3A_104 = vector.shape_cast %swap3A_103 : vector<1x16xf32> to vector<16xf32>
      %swap3A_105 = vector.shape_cast %mul3A_99 : vector<16xf32> to vector<1x16xf32>
      tpu.vector_store %arg7[%swap3A_101, %swap3A_102], %swap3A_105 {strides = array<i32>} : memref<1x128xf32, #tpu.memory_space<vmem>>, vector<1x16xf32>,
      %mul3A_106 = arith.constant 5.000000e-03 : f32
      %mul3A_107 = vector.broadcast %mul3A_106 : f32 to vector<16xf32>
      %mul3A_108 = arith.mulf %scan3A_52#6, %mul3A_107 : vector<16xf32>
      %swap3A_109 = arith.constant 0 : i32
      %swap3A_110 = arith.index_cast %swap3A_109 : i32 to index
      %swap3A_111 = arith.constant 96 : index
      %swap3A_112 = tpu.vector_load %arg7[%swap3A_110, %swap3A_111] {strides = array<i32>} : memref<1x128xf32, #tpu.memory_space<vmem>>, vector<1x16xf32>,
      %swap3A_113 = vector.shape_cast %swap3A_112 : vector<1x16xf32> to vector<16xf32>
      %swap3A_114 = vector.shape_cast %mul3A_108 : vector<16xf32> to vector<1x16xf32>
      tpu.vector_store %arg7[%swap3A_110, %swap3A_111], %swap3A_114 {strides = array<i32>} : memref<1x128xf32, #tpu.memory_space<vmem>>, vector<1x16xf32>,
      %mul3A_115 = arith.constant 5.000000e-03 : f32
      %mul3A_116 = vector.broadcast %mul3A_115 : f32 to vector<16xf32>
      %mul3A_117 = arith.mulf %scan3A_52#7, %mul3A_116 : vector<16xf32>
      %swap3A_118 = arith.constant 0 : i32
      %swap3A_119 = arith.index_cast %swap3A_118 : i32 to index
      %swap3A_120 = arith.constant 112 : index
      %swap3A_121 = tpu.vector_load %arg7[%swap3A_119, %swap3A_120] {strides = array<i32>} : memref<1x128xf32, #tpu.memory_space<vmem>>, vector<1x16xf32>,
      %swap3A_122 = vector.shape_cast %swap3A_121 : vector<1x16xf32> to vector<16xf32>
      %swap3A_123 = vector.shape_cast %mul3A_117 : vector<16xf32> to vector<1x16xf32>
      tpu.vector_store %arg7[%swap3A_119, %swap3A_120], %swap3A_123 {strides = array<i32>} : memref<1x128xf32, #tpu.memory_space<vmem>>, vector<1x16xf32>,
      "tpu.region"() ({
        %run_scoped3A = tpu.sem_alloc : memref<!tpu.dma_semaphore, #tpu.memory_space<semaphore_mem>>
        tpu.enqueue_dma source(%arg7 : memref<1x128xf32, #tpu.memory_space<vmem>>) target(%arg4 : memref<1x128xf32, #tpu.memory_space<hbm>>) target_semaphore(%run_scoped3A : memref<!tpu.dma_semaphore, #tpu.memory_space<semaphore_mem>>)
        tpu.wait_dma2 semaphore(%run_scoped3A : memref<!tpu.dma_semaphore, #tpu.memory_space<semaphore_mem>>) src(%arg7 : memref<1x128xf32, #tpu.memory_space<vmem>>) dst(%arg4 : memref<1x128xf32, #tpu.memory_space<hbm>>)
        tpu.yield
      }) : () -> ()
    } else {
    }
    return
  }
}

module attributes {stable_mosaic.version = 14 : i64} {
  func.func @_tc1_body(%arg0: i32, %arg1: memref<1x128xf32, #tpu.memory_space<vmem>>, %arg2: memref<3200x128xf32, #tpu.memory_space<vmem>>, %arg3: memref<3200x128xf32, #tpu.memory_space<vmem>>, %arg4: memref<3200x128xf32, #tpu.memory_space<vmem>>, %arg5: memref<3200x128xf32, #tpu.memory_space<vmem>>, %arg6: memref<1x3200xf32, #tpu.memory_space<vmem>>, %arg7: memref<1x3200xf32, #tpu.memory_space<vmem>>, %arg8: memref<1x3200xf32, #tpu.memory_space<vmem>>, %arg9: memref<1x3200xf32, #tpu.memory_space<vmem>>, %arg10: memref<1x100000xf32, #tpu.memory_space<vmem>>, %arg11: memref<2xf32, #tpu.memory_space<smem>>) attributes {dimension_semantics = [#tpu.dimension_semantics<arbitrary>], iteration_bounds = array<i64: 8>, scalar_prefetch = 0 : i64, scratch_operands = 1 : i64, tpu.core_type = #tpu.core_type<tc>, window_params = [{pipeline_mode = #tpu.pipeline_mode<synchronous>, transform_indices = @transform_0, window_bounds = array<i64: 1, 128>}, {transform_indices = @transform_1, window_bounds = array<i64: 3200, 128>}, {transform_indices = @transform_2, window_bounds = array<i64: 3200, 128>}, {transform_indices = @transform_3, window_bounds = array<i64: 3200, 128>}, {transform_indices = @transform_4, window_bounds = array<i64: 3200, 128>}, {transform_indices = @transform_5, window_bounds = array<i64: 1, 3200>}, {transform_indices = @transform_6, window_bounds = array<i64: 1, 3200>}, {transform_indices = @transform_7, window_bounds = array<i64: 1, 3200>}, {transform_indices = @transform_8, window_bounds = array<i64: 1, 3200>}, {pipeline_mode = #tpu.pipeline_mode<synchronous>, transform_indices = @transform_9, window_bounds = array<i64: 1, 100000>}]} {
    %eq3A = arith.constant 0 : i32
    %eq3A_0 = arith.cmpi eq, %arg0, %eq3A : i32
    %convert_element_type3A = arith.extui %eq3A_0 : i1 to i32
    %cond3A = arith.constant 0 : i32
    %cond3A_1 = arith.cmpi ne, %convert_element_type3A, %cond3A : i32
    scf.if %cond3A_1 {
      %swap3A_194 = arith.constant 0xFF800000 : f32
      %swap3A_195 = arith.constant 0 : index
      %swap3A_196 = memref.load %arg11[%swap3A_195] : memref<2xf32, #tpu.memory_space<smem>>
      memref.store %swap3A_194, %arg11[%swap3A_195] : memref<2xf32, #tpu.memory_space<smem>>
      %swap3A_197 = arith.constant 0.000000e+00 : f32
      %swap3A_198 = arith.constant 1 : index
      %swap3A_199 = memref.load %arg11[%swap3A_198] : memref<2xf32, #tpu.memory_space<smem>>
      memref.store %swap3A_197, %arg11[%swap3A_198] : memref<2xf32, #tpu.memory_space<smem>>
    } else {
    }
    %get3A = arith.constant 0 : index
    %get3A_2 = arith.constant 0 : index
    %get3A_3 = vector.load %arg1[%get3A, %get3A_2] : memref<1x128xf32, #tpu.memory_space<vmem>>, vector<1x128xf32>
    %broadcast_in_dim3A = vector.shape_cast %get3A_3 : vector<1x128xf32> to vector<1x128xf32>
    %broadcast_in_dim3A_4 = vector.broadcast %broadcast_in_dim3A : vector<1x128xf32> to vector<8x128xf32>
    %transpose3A = tpu.transpose %broadcast_in_dim3A_4, [1, 0] : vector<8x128xf32> -> vector<128x8xf32>
    %get3A_5 = arith.constant 0 : index
    %get3A_6 = arith.constant 0 : index
    %get3A_7 = vector.load %arg2[%get3A_5, %get3A_6] : memref<3200x128xf32, #tpu.memory_space<vmem>>, vector<3200x128xf32>
    %dot_general3A = arith.constant dense<0.000000e+00> : vector<3200x8xf32>
    %dot_general3A_8 = tpu.matmul %get3A_7, %transpose3A, %dot_general3A {dimension_numbers = #tpu.dot_dimension_numbers<[1], [0], [0], [1], [0, 0, 1, 1], [], []>, transpose_lhs_hint = false} : vector<3200x128xf32>, vector<128x8xf32>, vector<3200x8xf32> -> vector<3200x8xf32>
    %transpose3A_9 = tpu.transpose %dot_general3A_8, [1, 0] : vector<3200x8xf32> -> vector<8x3200xf32>
    %slice3A = vector.extract_strided_slice %transpose3A_9 {offsets = [0, 0], sizes = [1, 3200], strides = [1, 1]} : vector<8x3200xf32> to vector<1x3200xf32>
    %get3A_10 = arith.constant 0 : index
    %get3A_11 = arith.constant 0 : index
    %get3A_12 = vector.load %arg6[%get3A_10, %get3A_11] : memref<1x3200xf32, #tpu.memory_space<vmem>>, vector<1x3200xf32>
    %add3A = arith.addf %slice3A, %get3A_12 : vector<1x3200xf32>
    %add3A_13 = arith.constant 0 : i32
    %add3A_14 = arith.addi %arg0, %add3A_13 : i32
    %mul3A = arith.constant 3200 : i32
    %mul3A_15 = arith.muli %add3A_14, %mul3A : i32
    %swap3A = arith.constant 0 : index
    %swap3A_16 = arith.index_cast %mul3A_15 : i32 to index
    %swap3A_17 = vector.load %arg10[%swap3A, %swap3A_16] : memref<1x100000xf32, #tpu.memory_space<vmem>>, vector<1x3200xf32>
    tpu.vector_store %arg10[%swap3A, %swap3A_16], %add3A {strides = array<i32>} : memref<1x100000xf32, #tpu.memory_space<vmem>>, vector<1x3200xf32>,
    %iota3A = tpu.iota {dimensions = array<i32: 1>} : vector<1x3200xi32>
    %add3A_18 = vector.broadcast %mul3A_15 : i32 to vector<1x3200xi32>
    %add3A_19 = arith.addi %iota3A, %add3A_18 : vector<1x3200xi32>
    %lt3A = arith.constant 100000 : i32
    %lt3A_20 = vector.broadcast %lt3A : i32 to vector<1x3200xi32>
    %lt3A_21 = arith.cmpi slt, %add3A_19, %lt3A_20 : vector<1x3200xi32>
    %jit3A = arith.constant 0xFF800000 : f32
    %broadcast_in_dim3A_22 = vector.broadcast %jit3A : f32 to vector<1x3200xf32>
    %select_n3A = arith.select %lt3A_21, %add3A, %broadcast_in_dim3A_22 : vector<1x3200xi1>, vector<1x3200xf32>
    %reduce_max3A = vector.shape_cast %select_n3A : vector<1x3200xf32> to vector<1x1x3200xf32>
    %reduce_max3A_23 = arith.constant dense<0xFF800000> : vector<1xf32>
    %reduce_max3A_24 = vector.multi_reduction <maximumf>, %reduce_max3A, %reduce_max3A_23 [1, 2] : vector<1x1x3200xf32> to vector<1xf32>
    %reduce_max3A_25 = vector.shape_cast %reduce_max3A_24 : vector<1xf32> to vector<1x1x1xf32>
    %reduce_max3A_26 = vector.extract %reduce_max3A_25[0, 0, 0] : f32 from vector<1x1x1xf32>
    %get3A_27 = arith.constant 0 : index
    %get3A_28 = arith.constant 0 : index
    %get3A_29 = vector.load %arg3[%get3A_27, %get3A_28] : memref<3200x128xf32, #tpu.memory_space<vmem>>, vector<3200x128xf32>
    %dot_general3A_30 = arith.constant dense<0.000000e+00> : vector<3200x8xf32>
    %dot_general3A_31 = tpu.matmul %get3A_29, %transpose3A, %dot_general3A_30 {dimension_numbers = #tpu.dot_dimension_numbers<[1], [0], [0], [1], [0, 0, 1, 1], [], []>, transpose_lhs_hint = false} : vector<3200x128xf32>, vector<128x8xf32>, vector<3200x8xf32> -> vector<3200x8xf32>
    %transpose3A_32 = tpu.transpose %dot_general3A_31, [1, 0] : vector<3200x8xf32> -> vector<8x3200xf32>
    %slice3A_33 = vector.extract_strided_slice %transpose3A_32 {offsets = [0, 0], sizes = [1, 3200], strides = [1, 1]} : vector<8x3200xf32> to vector<1x3200xf32>
    %get3A_34 = arith.constant 0 : index
    %get3A_35 = arith.constant 0 : index
    %get3A_36 = vector.load %arg7[%get3A_34, %get3A_35] : memref<1x3200xf32, #tpu.memory_space<vmem>>, vector<1x3200xf32>
    %add3A_37 = arith.addf %slice3A_33, %get3A_36 : vector<1x3200xf32>
    %add3A_38 = arith.constant 8 : i32
    %add3A_39 = arith.addi %arg0, %add3A_38 : i32
    %mul3A_40 = arith.constant 3200 : i32
    %mul3A_41 = arith.muli %add3A_39, %mul3A_40 : i32
    %swap3A_42 = arith.constant 0 : index
    %swap3A_43 = arith.index_cast %mul3A_41 : i32 to index
    %swap3A_44 = vector.load %arg10[%swap3A_42, %swap3A_43] : memref<1x100000xf32, #tpu.memory_space<vmem>>, vector<1x3200xf32>
    tpu.vector_store %arg10[%swap3A_42, %swap3A_43], %add3A_37 {strides = array<i32>} : memref<1x100000xf32, #tpu.memory_space<vmem>>, vector<1x3200xf32>,
    %iota3A_45 = tpu.iota {dimensions = array<i32: 1>} : vector<1x3200xi32>
    %add3A_46 = vector.broadcast %mul3A_41 : i32 to vector<1x3200xi32>
    %add3A_47 = arith.addi %iota3A_45, %add3A_46 : vector<1x3200xi32>
    %lt3A_48 = arith.constant 100000 : i32
    %lt3A_49 = vector.broadcast %lt3A_48 : i32 to vector<1x3200xi32>
    %lt3A_50 = arith.cmpi slt, %add3A_47, %lt3A_49 : vector<1x3200xi32>
    %jit3A_51 = arith.constant 0xFF800000 : f32
    %broadcast_in_dim3A_52 = vector.broadcast %jit3A_51 : f32 to vector<1x3200xf32>
    %select_n3A_53 = arith.select %lt3A_50, %add3A_37, %broadcast_in_dim3A_52 : vector<1x3200xi1>, vector<1x3200xf32>
    %reduce_max3A_54 = vector.shape_cast %select_n3A_53 : vector<1x3200xf32> to vector<1x1x3200xf32>
    %reduce_max3A_55 = arith.constant dense<0xFF800000> : vector<1xf32>
    %reduce_max3A_56 = vector.multi_reduction <maximumf>, %reduce_max3A_54, %reduce_max3A_55 [1, 2] : vector<1x1x3200xf32> to vector<1xf32>
    %reduce_max3A_57 = vector.shape_cast %reduce_max3A_56 : vector<1xf32> to vector<1x1x1xf32>
    %reduce_max3A_58 = vector.extract %reduce_max3A_57[0, 0, 0] : f32 from vector<1x1x1xf32>
    %get3A_59 = arith.constant 0 : index
    %get3A_60 = arith.constant 0 : index
    %get3A_61 = vector.load %arg4[%get3A_59, %get3A_60] : memref<3200x128xf32, #tpu.memory_space<vmem>>, vector<3200x128xf32>
    %dot_general3A_62 = arith.constant dense<0.000000e+00> : vector<3200x8xf32>
    %dot_general3A_63 = tpu.matmul %get3A_61, %transpose3A, %dot_general3A_62 {dimension_numbers = #tpu.dot_dimension_numbers<[1], [0], [0], [1], [0, 0, 1, 1], [], []>, transpose_lhs_hint = false} : vector<3200x128xf32>, vector<128x8xf32>, vector<3200x8xf32> -> vector<3200x8xf32>
    %transpose3A_64 = tpu.transpose %dot_general3A_63, [1, 0] : vector<3200x8xf32> -> vector<8x3200xf32>
    %slice3A_65 = vector.extract_strided_slice %transpose3A_64 {offsets = [0, 0], sizes = [1, 3200], strides = [1, 1]} : vector<8x3200xf32> to vector<1x3200xf32>
    %get3A_66 = arith.constant 0 : index
    %get3A_67 = arith.constant 0 : index
    %get3A_68 = vector.load %arg8[%get3A_66, %get3A_67] : memref<1x3200xf32, #tpu.memory_space<vmem>>, vector<1x3200xf32>
    %add3A_69 = arith.addf %slice3A_65, %get3A_68 : vector<1x3200xf32>
    %add3A_70 = arith.constant 16 : i32
    %add3A_71 = arith.addi %arg0, %add3A_70 : i32
    %mul3A_72 = arith.constant 3200 : i32
    %mul3A_73 = arith.muli %add3A_71, %mul3A_72 : i32
    %swap3A_74 = arith.constant 0 : index
    %swap3A_75 = arith.index_cast %mul3A_73 : i32 to index
    %swap3A_76 = vector.load %arg10[%swap3A_74, %swap3A_75] : memref<1x100000xf32, #tpu.memory_space<vmem>>, vector<1x3200xf32>
    tpu.vector_store %arg10[%swap3A_74, %swap3A_75], %add3A_69 {strides = array<i32>} : memref<1x100000xf32, #tpu.memory_space<vmem>>, vector<1x3200xf32>,
    %iota3A_77 = tpu.iota {dimensions = array<i32: 1>} : vector<1x3200xi32>
    %add3A_78 = vector.broadcast %mul3A_73 : i32 to vector<1x3200xi32>
    %add3A_79 = arith.addi %iota3A_77, %add3A_78 : vector<1x3200xi32>
    %lt3A_80 = arith.constant 100000 : i32
    %lt3A_81 = vector.broadcast %lt3A_80 : i32 to vector<1x3200xi32>
    %lt3A_82 = arith.cmpi slt, %add3A_79, %lt3A_81 : vector<1x3200xi32>
    %jit3A_83 = arith.constant 0xFF800000 : f32
    %broadcast_in_dim3A_84 = vector.broadcast %jit3A_83 : f32 to vector<1x3200xf32>
    %select_n3A_85 = arith.select %lt3A_82, %add3A_69, %broadcast_in_dim3A_84 : vector<1x3200xi1>, vector<1x3200xf32>
    %reduce_max3A_86 = vector.shape_cast %select_n3A_85 : vector<1x3200xf32> to vector<1x1x3200xf32>
    %reduce_max3A_87 = arith.constant dense<0xFF800000> : vector<1xf32>
    %reduce_max3A_88 = vector.multi_reduction <maximumf>, %reduce_max3A_86, %reduce_max3A_87 [1, 2] : vector<1x1x3200xf32> to vector<1xf32>
    %reduce_max3A_89 = vector.shape_cast %reduce_max3A_88 : vector<1xf32> to vector<1x1x1xf32>
    %reduce_max3A_90 = vector.extract %reduce_max3A_89[0, 0, 0] : f32 from vector<1x1x1xf32>
    %get3A_91 = arith.constant 0 : index
    %get3A_92 = arith.constant 0 : index
    %get3A_93 = vector.load %arg5[%get3A_91, %get3A_92] : memref<3200x128xf32, #tpu.memory_space<vmem>>, vector<3200x128xf32>
    %dot_general3A_94 = arith.constant dense<0.000000e+00> : vector<3200x8xf32>
    %dot_general3A_95 = tpu.matmul %get3A_93, %transpose3A, %dot_general3A_94 {dimension_numbers = #tpu.dot_dimension_numbers<[1], [0], [0], [1], [0, 0, 1, 1], [], []>, transpose_lhs_hint = false} : vector<3200x128xf32>, vector<128x8xf32>, vector<3200x8xf32> -> vector<3200x8xf32>
    %transpose3A_96 = tpu.transpose %dot_general3A_95, [1, 0] : vector<3200x8xf32> -> vector<8x3200xf32>
    %slice3A_97 = vector.extract_strided_slice %transpose3A_96 {offsets = [0, 0], sizes = [1, 3200], strides = [1, 1]} : vector<8x3200xf32> to vector<1x3200xf32>
    %get3A_98 = arith.constant 0 : index
    %get3A_99 = arith.constant 0 : index
    %get3A_100 = vector.load %arg9[%get3A_98, %get3A_99] : memref<1x3200xf32, #tpu.memory_space<vmem>>, vector<1x3200xf32>
    %add3A_101 = arith.addf %slice3A_97, %get3A_100 : vector<1x3200xf32>
    %add3A_102 = arith.constant 24 : i32
    %add3A_103 = arith.addi %arg0, %add3A_102 : i32
    %mul3A_104 = arith.constant 3200 : i32
    %mul3A_105 = arith.muli %add3A_103, %mul3A_104 : i32
    %lt3A_106 = arith.constant 7 : i32
    %lt3A_107 = arith.cmpi slt, %arg0, %lt3A_106 : i32
    %convert_element_type3A_108 = arith.extui %lt3A_107 : i1 to i32
    %cond3A_109 = arith.constant 0 : i32
    %cond3A_110 = arith.cmpi ne, %convert_element_type3A_108, %cond3A_109 : i32
    scf.if %cond3A_110 {
      %swap3A_194 = arith.constant 0 : index
      %swap3A_195 = arith.index_cast %mul3A_105 : i32 to index
      %swap3A_196 = vector.load %arg10[%swap3A_194, %swap3A_195] : memref<1x100000xf32, #tpu.memory_space<vmem>>, vector<1x3200xf32>
      tpu.vector_store %arg10[%swap3A_194, %swap3A_195], %add3A_101 {strides = array<i32>} : memref<1x100000xf32, #tpu.memory_space<vmem>>, vector<1x3200xf32>,
    } else {
    }
    %eq3A_111 = arith.constant 7 : i32
    %eq3A_112 = arith.cmpi eq, %arg0, %eq3A_111 : i32
    %convert_element_type3A_113 = arith.extui %eq3A_112 : i1 to i32
    %cond3A_114 = arith.constant 0 : i32
    %cond3A_115 = arith.cmpi ne, %convert_element_type3A_113, %cond3A_114 : i32
    scf.if %cond3A_115 {
      %slice3A_194 = vector.extract_strided_slice %add3A_101 {offsets = [0, 0], sizes = [1, 800], strides = [1, 1]} : vector<1x3200xf32> to vector<1x800xf32>
      %swap3A_195 = arith.constant 0 : index
      %swap3A_196 = arith.index_cast %mul3A_105 : i32 to index
      %swap3A_197 = vector.load %arg10[%swap3A_195, %swap3A_196] : memref<1x100000xf32, #tpu.memory_space<vmem>>, vector<1x800xf32>
      tpu.vector_store %arg10[%swap3A_195, %swap3A_196], %slice3A_194 {strides = array<i32>} : memref<1x100000xf32, #tpu.memory_space<vmem>>, vector<1x800xf32>,
    } else {
    }
    %iota3A_116 = tpu.iota {dimensions = array<i32: 1>} : vector<1x3200xi32>
    %add3A_117 = vector.broadcast %mul3A_105 : i32 to vector<1x3200xi32>
    %add3A_118 = arith.addi %iota3A_116, %add3A_117 : vector<1x3200xi32>
    %lt3A_119 = arith.constant 100000 : i32
    %lt3A_120 = vector.broadcast %lt3A_119 : i32 to vector<1x3200xi32>
    %lt3A_121 = arith.cmpi slt, %add3A_118, %lt3A_120 : vector<1x3200xi32>
    %jit3A_122 = arith.constant 0xFF800000 : f32
    %broadcast_in_dim3A_123 = vector.broadcast %jit3A_122 : f32 to vector<1x3200xf32>
    %select_n3A_124 = arith.select %lt3A_121, %add3A_101, %broadcast_in_dim3A_123 : vector<1x3200xi1>, vector<1x3200xf32>
    %reduce_max3A_125 = vector.shape_cast %select_n3A_124 : vector<1x3200xf32> to vector<1x1x3200xf32>
    %reduce_max3A_126 = arith.constant dense<0xFF800000> : vector<1xf32>
    %reduce_max3A_127 = vector.multi_reduction <maximumf>, %reduce_max3A_125, %reduce_max3A_126 [1, 2] : vector<1x1x3200xf32> to vector<1xf32>
    %reduce_max3A_128 = vector.shape_cast %reduce_max3A_127 : vector<1xf32> to vector<1x1x1xf32>
    %reduce_max3A_129 = vector.extract %reduce_max3A_128[0, 0, 0] : f32 from vector<1x1x1xf32>
    %get3A_130 = arith.constant 0 : index
    %get3A_131 = memref.load %arg11[%get3A_130] : memref<2xf32, #tpu.memory_space<smem>>
    %get3A_132 = arith.constant 1 : index
    %get3A_133 = memref.load %arg11[%get3A_132] : memref<2xf32, #tpu.memory_space<smem>>
    %max3A = arith.maximumf %get3A_131, %reduce_max3A_26 : f32
    %max3A_134 = arith.maximumf %max3A, %reduce_max3A_58 : f32
    %max3A_135 = arith.maximumf %max3A_134, %reduce_max3A_90 : f32
    %max3A_136 = arith.maximumf %max3A_135, %reduce_max3A_129 : f32
    %sub3A = arith.subf %get3A_131, %max3A_136 : f32
    %exp3A = math.exp %sub3A : f32
    %mul3A_137 = arith.mulf %get3A_133, %exp3A : f32
    %sub3A_138 = vector.broadcast %max3A_136 : f32 to vector<1x3200xf32>
    %sub3A_139 = arith.subf %add3A, %sub3A_138 : vector<1x3200xf32>
    %exp3A_140 = math.exp %sub3A_139 : vector<1x3200xf32>
    %jit3A_141 = arith.constant 0.000000e+00 : f32
    %broadcast_in_dim3A_142 = vector.broadcast %jit3A_141 : f32 to vector<1x3200xf32>
    %select_n3A_143 = arith.select %lt3A_21, %exp3A_140, %broadcast_in_dim3A_142 : vector<1x3200xi1>, vector<1x3200xf32>
    %reduce_sum3A = vector.shape_cast %select_n3A_143 : vector<1x3200xf32> to vector<1x1x3200xf32>
    %reduce_sum3A_144 = arith.constant dense<0.000000e+00> : vector<1xf32>
    %reduce_sum3A_145 = vector.multi_reduction <add>, %reduce_sum3A, %reduce_sum3A_144 [1, 2] : vector<1x1x3200xf32> to vector<1xf32>
    %reduce_sum3A_146 = vector.shape_cast %reduce_sum3A_145 : vector<1xf32> to vector<1x1x1xf32>
    %reduce_sum3A_147 = vector.extract %reduce_sum3A_146[0, 0, 0] : f32 from vector<1x1x1xf32>
    %add3A_148 = arith.addf %mul3A_137, %reduce_sum3A_147 : f32
    %sub3A_149 = vector.broadcast %max3A_136 : f32 to vector<1x3200xf32>
    %sub3A_150 = arith.subf %add3A_37, %sub3A_149 : vector<1x3200xf32>
    %exp3A_151 = math.exp %sub3A_150 : vector<1x3200xf32>
    %jit3A_152 = arith.constant 0.000000e+00 : f32
    %broadcast_in_dim3A_153 = vector.broadcast %jit3A_152 : f32 to vector<1x3200xf32>
    %select_n3A_154 = arith.select %lt3A_50, %exp3A_151, %broadcast_in_dim3A_153 : vector<1x3200xi1>, vector<1x3200xf32>
    %reduce_sum3A_155 = vector.shape_cast %select_n3A_154 : vector<1x3200xf32> to vector<1x1x3200xf32>
    %reduce_sum3A_156 = arith.constant dense<0.000000e+00> : vector<1xf32>
    %reduce_sum3A_157 = vector.multi_reduction <add>, %reduce_sum3A_155, %reduce_sum3A_156 [1, 2] : vector<1x1x3200xf32> to vector<1xf32>
    %reduce_sum3A_158 = vector.shape_cast %reduce_sum3A_157 : vector<1xf32> to vector<1x1x1xf32>
    %reduce_sum3A_159 = vector.extract %reduce_sum3A_158[0, 0, 0] : f32 from vector<1x1x1xf32>
    %add3A_160 = arith.addf %add3A_148, %reduce_sum3A_159 : f32
    %sub3A_161 = vector.broadcast %max3A_136 : f32 to vector<1x3200xf32>
    %sub3A_162 = arith.subf %add3A_69, %sub3A_161 : vector<1x3200xf32>
    %exp3A_163 = math.exp %sub3A_162 : vector<1x3200xf32>
    %jit3A_164 = arith.constant 0.000000e+00 : f32
    %broadcast_in_dim3A_165 = vector.broadcast %jit3A_164 : f32 to vector<1x3200xf32>
    %select_n3A_166 = arith.select %lt3A_82, %exp3A_163, %broadcast_in_dim3A_165 : vector<1x3200xi1>, vector<1x3200xf32>
    %reduce_sum3A_167 = vector.shape_cast %select_n3A_166 : vector<1x3200xf32> to vector<1x1x3200xf32>
    %reduce_sum3A_168 = arith.constant dense<0.000000e+00> : vector<1xf32>
    %reduce_sum3A_169 = vector.multi_reduction <add>, %reduce_sum3A_167, %reduce_sum3A_168 [1, 2] : vector<1x1x3200xf32> to vector<1xf32>
    %reduce_sum3A_170 = vector.shape_cast %reduce_sum3A_169 : vector<1xf32> to vector<1x1x1xf32>
    %reduce_sum3A_171 = vector.extract %reduce_sum3A_170[0, 0, 0] : f32 from vector<1x1x1xf32>
    %add3A_172 = arith.addf %add3A_160, %reduce_sum3A_171 : f32
    %sub3A_173 = vector.broadcast %max3A_136 : f32 to vector<1x3200xf32>
    %sub3A_174 = arith.subf %add3A_101, %sub3A_173 : vector<1x3200xf32>
    %exp3A_175 = math.exp %sub3A_174 : vector<1x3200xf32>
    %jit3A_176 = arith.constant 0.000000e+00 : f32
    %broadcast_in_dim3A_177 = vector.broadcast %jit3A_176 : f32 to vector<1x3200xf32>
    %select_n3A_178 = arith.select %lt3A_121, %exp3A_175, %broadcast_in_dim3A_177 : vector<1x3200xi1>, vector<1x3200xf32>
    %reduce_sum3A_179 = vector.shape_cast %select_n3A_178 : vector<1x3200xf32> to vector<1x1x3200xf32>
    %reduce_sum3A_180 = arith.constant dense<0.000000e+00> : vector<1xf32>
    %reduce_sum3A_181 = vector.multi_reduction <add>, %reduce_sum3A_179, %reduce_sum3A_180 [1, 2] : vector<1x1x3200xf32> to vector<1xf32>
    %reduce_sum3A_182 = vector.shape_cast %reduce_sum3A_181 : vector<1xf32> to vector<1x1x1xf32>
    %reduce_sum3A_183 = vector.extract %reduce_sum3A_182[0, 0, 0] : f32 from vector<1x1x1xf32>
    %add3A_184 = arith.addf %add3A_172, %reduce_sum3A_183 : f32
    %swap3A_185 = arith.constant 0 : index
    %swap3A_186 = memref.load %arg11[%swap3A_185] : memref<2xf32, #tpu.memory_space<smem>>
    memref.store %max3A_136, %arg11[%swap3A_185] : memref<2xf32, #tpu.memory_space<smem>>
    %swap3A_187 = arith.constant 1 : index
    %swap3A_188 = memref.load %arg11[%swap3A_187] : memref<2xf32, #tpu.memory_space<smem>>
    memref.store %add3A_184, %arg11[%swap3A_187] : memref<2xf32, #tpu.memory_space<smem>>
    %eq3A_189 = arith.constant 7 : i32
    %eq3A_190 = arith.cmpi eq, %arg0, %eq3A_189 : i32
    %convert_element_type3A_191 = arith.extui %eq3A_190 : i1 to i32
    %cond3A_192 = arith.constant 0 : i32
    %cond3A_193 = arith.cmpi ne, %convert_element_type3A_191, %cond3A_192 : i32
    scf.if %cond3A_193 {
      %log3A = math.log %add3A_184 : f32
      %add3A_194 = arith.addf %max3A_136, %log3A : f32
      %get3A_195 = arith.constant 0 : index
      %get3A_196 = arith.constant 0 : index
      %get3A_197 = vector.load %arg10[%get3A_195, %get3A_196] : memref<1x100000xf32, #tpu.memory_space<vmem>>, vector<1x100000xf32>
      %sub3A_198 = vector.broadcast %add3A_194 : f32 to vector<1x100000xf32>
      %sub3A_199 = arith.subf %get3A_197, %sub3A_198 : vector<1x100000xf32>
      %swap3A_200 = arith.constant 0 : index
      %swap3A_201 = arith.constant 0 : index
      %swap3A_202 = vector.load %arg10[%swap3A_200, %swap3A_201] : memref<1x100000xf32, #tpu.memory_space<vmem>>, vector<1x100000xf32>
      tpu.vector_store %arg10[%swap3A_200, %swap3A_201], %sub3A_199 {strides = array<i32>} : memref<1x100000xf32, #tpu.memory_space<vmem>>, vector<1x100000xf32>,
    } else {
    }
    return
  }
  func.func @transform_0(%arg0: i32) -> (i32, i32) {
    %c0_i32 = arith.constant 0 : i32
    %c0_i32_0 = arith.constant 0 : i32
    %c0_i32_1 = arith.constant 0 : i32
    return %c0_i32, %c0_i32_0 : i32, i32
  }
  func.func @transform_1(%arg0: i32) -> (i32, i32) {
    %add3A = arith.constant 0 : i32
    %add3A_0 = arith.addi %arg0, %add3A : i32
    %c0_i32 = arith.constant 0 : i32
    %c0_i32_1 = arith.constant 0 : i32
    return %add3A_0, %c0_i32 : i32, i32
  }
  func.func @transform_2(%arg0: i32) -> (i32, i32) {
    %add3A = arith.constant 8 : i32
    %add3A_0 = arith.addi %arg0, %add3A : i32
    %c0_i32 = arith.constant 0 : i32
    %c0_i32_1 = arith.constant 0 : i32
    return %add3A_0, %c0_i32 : i32, i32
  }
  func.func @transform_3(%arg0: i32) -> (i32, i32) {
    %add3A = arith.constant 16 : i32
    %add3A_0 = arith.addi %arg0, %add3A : i32
    %c0_i32 = arith.constant 0 : i32
    %c0_i32_1 = arith.constant 0 : i32
    return %add3A_0, %c0_i32 : i32, i32
  }
  func.func @transform_4(%arg0: i32) -> (i32, i32) {
    %add3A = arith.constant 24 : i32
    %add3A_0 = arith.addi %arg0, %add3A : i32
    %c0_i32 = arith.constant 0 : i32
    %c0_i32_1 = arith.constant 0 : i32
    return %add3A_0, %c0_i32 : i32, i32
  }
  func.func @transform_5(%arg0: i32) -> (i32, i32) {
    %add3A = arith.constant 0 : i32
    %add3A_0 = arith.addi %arg0, %add3A : i32
    %c0_i32 = arith.constant 0 : i32
    %c0_i32_1 = arith.constant 0 : i32
    return %c0_i32, %add3A_0 : i32, i32
  }
  func.func @transform_6(%arg0: i32) -> (i32, i32) {
    %add3A = arith.constant 8 : i32
    %add3A_0 = arith.addi %arg0, %add3A : i32
    %c0_i32 = arith.constant 0 : i32
    %c0_i32_1 = arith.constant 0 : i32
    return %c0_i32, %add3A_0 : i32, i32
  }
  func.func @transform_7(%arg0: i32) -> (i32, i32) {
    %add3A = arith.constant 16 : i32
    %add3A_0 = arith.addi %arg0, %add3A : i32
    %c0_i32 = arith.constant 0 : i32
    %c0_i32_1 = arith.constant 0 : i32
    return %c0_i32, %add3A_0 : i32, i32
  }
  func.func @transform_8(%arg0: i32) -> (i32, i32) {
    %add3A = arith.constant 24 : i32
    %add3A_0 = arith.addi %arg0, %add3A : i32
    %c0_i32 = arith.constant 0 : i32
    %c0_i32_1 = arith.constant 0 : i32
    return %c0_i32, %add3A_0 : i32, i32
  }
  func.func @transform_9(%arg0: i32) -> (i32, i32) {
    %c0_i32 = arith.constant 0 : i32
    %c0_i32_0 = arith.constant 0 : i32
    %c0_i32_1 = arith.constant 0 : i32
    return %c0_i32, %c0_i32_0 : i32, i32
  }
}

</mosaic_0001>

<sc_bundles>
// kernel: kernel.4.cloned.1.call-start
scs
__scs_entry_jumppad:
0x0: {  	(pc) =	sbr.rel $0x88, $3  }
0x1: {  	(tag) =	ssettag $0x0;
	lr =	simm.s32 $0x1  }
0x2: {  	[smem:$0x3F9D] =	sst lr;
	_ =	strace $0xD0000000  }
0x3: {  	_ = 	snop  }
0x4: {  	_ = 	snop  }
0x5: {  	_ = 	snop  }
0x6: {  	_ = 	snop  }
0x7: {  	_ = 	snop  }
__scs_overlays_trampoline_lowered:
0x8: {  	[smem:$0x3FAC] =	sst s0  }
0x9: {  	[smem:$0x3FAD] =	sst s1  }
0xa: {  	[smem:$0x3FAE] =	sst s2  }
0xb: {  	[smem:$0x3FAF] =	sst s3  }
0xc: {  	[smem:$0x3FB0] =	sst s4  }
0xd: {  	[smem:$0x3FB1] =	sst s5  }
0xe: {  	[smem:$0x3FB2] =	sst s6  }
0xf: {  	[smem:$0x3FB3] =	sst s7  }
0x10: {  	[smem:$0x3FB4] =	sst s8  }
0x11: {  	[smem:$0x3FB5] =	sst s9;
	s0 =	simm.s32 @!p0 $0x0  }
0x12: {  	s1 =	sld [smem:$0x3F9B];
	s0 =	simm.s32 @p0 $0x1  }
0x13: {  	[smem:$0x3FB6] =	sst s0;
	s0 =	simm.s32 @!p1 $0x0  }
0x14: {  	s2 =	sld [smem:$0x3F9A];
	s0 =	simm.s32 @p1 $0x1  }
0x15: {  	[smem:$0x3FB7] =	sst s0;
	s0 =	simm.s32 @!p2 $0x0  }
0x16: {  	s3 =	sld [smem:$0x3FDB];
	s0 =	simm.s32 @p2 $0x1  }
0x17: {  	s4 =	simm.s32 $0x1BF5;
	[smem:$0x3FB9] =	sst s0  }
0x18: {  	s0 =	sld [smem:$0x3F9C];
	_ =	swait.ge [sflag:s4], $0x0  }
0x19: {  	s7 =	sld [smem:$0x3F9D]  }
0x1a: {  	s8 =	sadd.s32 $0xFFFFE003, lr  }
0x1b: {  	s9 =	sadd.s32 $0xFFFFFEF7, lr;
	s5 =	simm.s32 $0xFFFFFFFF;
	p2 =	slt.u32 s8, $0xFFFFF086  }
0x1c: {  	p1 =	slt.u32 s9, $0xF7A;
	s5 =	simm.s32 @!p2 $0x0  }
0x1d: {  	s5 =	simm.s32 @p1 $0x1;
	p0 =	seq.s32 s7, s2  }
0x1e: {  	s7 =	smul.u32 @!p0 $0xF7A, s2;
	p2 =	seq.s32 @!p0 s5, $0x0  }
0x1f: {  	s9 =	smul.u32 $0xF7A, s1;
	s8 =	simm.s32 @!p0 $0x1BF5;
	p2 =	por !p2, p0  }
0x20: {  	[sflag:s8] =	ssyncset.s32 @!p0 $0xFFFFF086;
	s6 =	sadd.s32 @!p0 s3, s7;
	s7 =	simm.s32 @!p0 $0x108  }
0x21: {  	s3 =	sadd.s32 s3, s9;
	s6 =	sadd.s32 @!p0 $0x88, s6;
	s7 =	simm.s32 @p2 $0x1082  }
0x22: {  	[simem:s7], [sflag:s8] =	dma.local @!p0 [hbm:s6], $0xF7A  }
0x23: {  	s9 =	sor.u32 $0xD0000000, s2;
	s6 =	simm.s32 $0x108;
	_ =	swait.ge @!p0 [sflag:s8], $0x0  }
0x24: {  	s3 =	sadd.s32 $0x88, s3;
	s6 =	simm.s32 @!p1 $0x1082;
	[sflag:s4] =	ssyncset.s32 $0xFFFFF086  }
0x25: {  	[simem:s6], [sflag:s4] =	dma.local [hbm:s3], $0xF7A  }
0x26: {  	[smem:$0x3F9D] =	sst s1;
	(tag) =	ssettag s2;
	_ =	strace s9  }
0x27: {  	s1 =	sld [smem:$0x3FAD]  }
0x28: {  	s2 =	sld [smem:$0x3FAE]  }
0x29: {  	s4 =	sld [smem:$0x3FB0]  }
0x2a: {  	p0 =	seq.s32 s5, $0x0;
	s5 =	sld [smem:$0x3FB1]  }
0x2b: {  	s6 =	sld [smem:$0x3FB2]  }
0x2c: {  	s7 =	sld [smem:$0x3FB3]  }
0x2d: {  	s3 =	simm.s32 $0x108;
	s8 =	sld [smem:$0x3FB4]  }
0x2e: {  	s3 =	simm.s32 @!p0 $0x1082;
	s9 =	sld [smem:$0x3FB5]  }
0x2f: {  	lr =	sadd.s32 s0, s3;
	s0 =	sld [smem:$0x3FAC]  }
0x30: {  	s3 =	sld [smem:$0x3FAF]  }
0x31: {  	[smem:$0x3FB8] =	sst s10  }
0x32: {  	s10 =	sld [smem:$0x3FB6];
	_ =	sdelay $0x3  }
0x33: {  	p0 =	seq.s32 s10, $0x1;
	s10 =	sld [smem:$0x3FB8];
	_ =	sdelay $0x3  }
0x34: {  	[smem:$0x3FB8] =	sst s10  }
0x35: {  	s10 =	sld [smem:$0x3FB7];
	_ =	sdelay $0x3  }
0x36: {  	p1 =	seq.s32 s10, $0x1;
	s10 =	sld [smem:$0x3FB8];
	_ =	sdelay $0x3  }
0x37: {  	[smem:$0x3FB8] =	sst s10  }
0x38: {  	s10 =	sld [smem:$0x3FB9]  }
0x39: {  	_ = 	snop;
	(pc) =	sbr.ind lr, $3  }
0x3a: {  	_ = 	snop  }
0x3b: {  	_ = 	snop  }
0x3c: {  	p2 =	seq.s32 s10, $0x1;
	s10 =	sld [smem:$0x3FB8]  }
0x3d: {  	_ =	shalt  }
0x3e: {  	_ =	shalt  }
0x3f: {  	_ =	shalt  }
0x40: {  	_ =	shalt  }
0x41: {  	_ =	shalt  }
0x42: {  	_ =	shalt  }
0x43: {  	_ =	shalt  }
0x44: {  	_ =	shalt  }
0x45: {  	_ =	shalt  }
0x46: {  	_ =	shalt  }
0x47: {  	_ =	shalt  }
0x48: {  	_ =	shalt  }
0x49: {  	_ =	shalt  }
0x4a: {  	_ =	shalt  }
0x4b: {  	_ =	shalt  }
0x4c: {  	_ =	shalt  }
0x4d: {  	_ =	shalt  }
0x4e: {  	_ =	shalt  }
0x4f: {  	_ =	shalt  }
0x50: {  	_ =	shalt  }
0x51: {  	_ =	shalt  }
0x52: {  	_ =	shalt  }
0x53: {  	_ =	shalt  }
0x54: {  	_ =	shalt  }
0x55: {  	_ =	shalt  }
0x56: {  	_ =	shalt  }
0x57: {  	_ =	shalt  }
0x58: {  	_ =	shalt  }
0x59: {  	_ =	shalt  }
0x5a: {  	_ =	shalt  }
0x5b: {  	_ =	shalt  }
0x5c: {  	_ =	shalt  }
0x5d: {  	_ =	shalt  }
0x5e: {  	_ =	shalt  }
0x5f: {  	_ =	shalt  }
0x60: {  	_ =	shalt  }
0x61: {  	_ =	shalt  }
0x62: {  	_ =	shalt  }
0x63: {  	_ =	shalt  }
0x64: {  	_ =	shalt  }
0x65: {  	_ =	shalt  }
0x66: {  	_ =	shalt  }
0x67: {  	_ =	shalt  }
0x68: {  	_ =	shalt  }
0x69: {  	_ =	shalt  }
0x6a: {  	_ =	shalt  }
0x6b: {  	_ =	shalt  }
0x6c: {  	_ =	shalt  }
0x6d: {  	_ =	shalt  }
0x6e: {  	_ =	shalt  }
0x6f: {  	_ =	shalt  }
0x70: {  	_ =	shalt  }
0x71: {  	_ =	shalt  }
0x72: {  	_ =	shalt  }
0x73: {  	_ =	shalt  }
0x74: {  	_ =	shalt  }
0x75: {  	_ =	shalt  }
0x76: {  	_ =	shalt  }
0x77: {  	_ =	shalt  }
0x78: {  	_ =	shalt  }
0x79: {  	_ =	shalt  }
0x7a: {  	_ =	shalt  }
0x7b: {  	_ =	shalt  }
0x7c: {  	_ =	shalt  }
0x7d: {  	_ =	shalt  }
0x7e: {  	_ =	shalt  }
0x7f: {  	_ =	shalt  }
0x80: {  	_ =	shalt  }
0x81: {  	_ =	shalt  }
0x82: {  	_ =	shalt  }
0x83: {  	_ =	shalt  }
0x84: {  	_ =	shalt  }
0x85: {  	_ =	shalt  }
0x86: {  	_ =	shalt  }
0x87: {  	_ =	shalt  }
.Lfunc_end0:
.L_simem_size_0:
called_computation_lowered:
.L_overlay_start_0:
0x88: {  	s2 =	sld [smem:$0x3FD9]  }
0x89: {  	s3 =	sld [smem:$0x3FFE];
	_ =	sdelay $0x1  }
0x8a: {  	s1 =	srdreg.scid  }
0x8b: {  	s0 =	sand.u32 $0x1, s1  }
0x8c: {  	s18 =	sshll.u32 s0, $0xA;
	s2 =	sadd.s32 s3, s2  }
0x8d: {  	s2 =	sadd.s32 s2, s18  }
0x8e: {  	[smem:$0x3FC4] =	sst s2  }
0x8f: {  	_ = 	snop  }
0x90: {  	s2 =	sld [smem:$0x3FC9]  }
0x91: {  	s19 =	sld [smem:$0x3FC8]  }
0x92: {  	s4 =	sld [smem:$0x3FD0];
	(tm) =	ssettm $0x1  }
0x93: {  	s5 =	sld [smem:$0x3FFB];
	_ =	sdelay $0x3  }
0x94: {  	_ =	strace s5  }
0x95: {  	s5 =	sld [smem:$0x3FFC];
	_ =	sdelay $0x3  }
0x96: {  	_ =	strace s5  }
0x97: {  	s5 =	sld [smem:$0x3FFD];
	_ =	sdelay $0x3  }
0x98: {  	_ =	strace s5  }
0x99: {  	_ =	strace $0x8FFFFFFF  }
0x9a: {  	s20 =	sld [smem:$0x3FDB];
	_ =	sdelay $0x1  }
0x9b: {  	s6 =	simm.s32 $_scs_section_size  }
0x9c: {  	s7 =	simm.s32 $_size__tile_overlayer_lowered;
	s8 =	simm.s32 $_tile_overlayer_lowered  }
0x9d: {  	s23 =	simm.s32 $0x1BFF;
	s22 =	sshll.u32 s8, $0x1;
	s5 =	sadd.s32 s6, s20  }
0x9e: {  	s9 =	simm.s32 $0x0;
	s21 =	sshll.u32 s7, $0x1;
	s7 =	sadd.s32 s22, s5  }
0x9f: {  	[timem:s9], [sflag:s23] =	dma.local [hbm:s7], s21  }
0xa0: {  	_ =	swait.ge [sflag:s23], s21  }
0xa1: {  	s6 =	ssub.s32 $0x0, s21;
	[sflag:s23] =	ssyncset.done $0x0  }
0xa2: {  	[sflag:s23] =	ssyncadd.s32 s6;
	_ =	sdelay $0x1  }
0xa3: {  	s24 =	simm.s32 $0x1B8B  }
0xa4: {  	_ =	swait.ge [sflag:s24], $0x1  }
0xa5: {  	[sflag:s24] =	ssyncset.done $0x0  }
0xa6: {  	s25 =	simm.s32 $0x1B8E;
	[sflag:s24] =	ssyncadd.s32 $0xFFFFFFFF  }
0xa7: {  	s26 =	simm.s32 $execute0_lowered;
	[smem:$0x3FD2] =	sst s25  }
0xa8: {  	s6 =	sshll.u32 s26, $0x1;
	_ =	strace $0x80000046;
	[dreg:$0x1] =	wrdreg $0xFFFFFFFF  }
0xa9: {  	s28 =	simm.s32 $_size_execute0_lowered;
	s5 =	sadd.s32 s5, s6;
	[dreg:$0x0] =	wrdreg $0x0  }
0xaa: {  	s6 =	sshll.u32 s28, $0x1;
	[dreg:$0x2] =	wrdreg s5  }
0xab: {  	[dreg:$0x3] =	wrdreg s6  }
0xac: {  	[dreg:$0x4] =	wrdreg $0xC0  }
0xad: {  	_ =	task [dreg:s9], $0x5FFFF  }
0xae: {  	[dreg:$0x1] =	wrdreg $0xFFFFFFFF  }
0xaf: {  	[dreg:$0x0] =	wrdreg $0x60  }
0xb0: {  	[dreg:$0x2] =	wrdreg s2  }
0xb1: {  	[dreg:$0x3] =	wrdreg s19  }
0xb2: {  	[dreg:$0x4] =	wrdreg s4  }
0xb3: {  	[dreg:$0x5] =	wrdreg $0x9  }
0xb4: {  	_ =	task.clear_ibuf [dreg:s9], $0x6FFFF;
	_ =	strace $0x90000046  }
0xb5: {  	s29 =	simm.s32 $0x9;
	_ =	strace $0x80000048  }
0xb6: {  	_ =	swait.ge [sflag:s29], $0x1  }
0xb7: {  	[sflag:s29] =	ssyncadd.s32 $0xFFFFFFFF  }
0xb8: {  	_ =	strace $0x90000048  }
0xb9: {  	_ =	sfence  }
0xba: {  	s30 =	sld [smem:$0x0];
	_ =	sdelay $0x2  }
0xbb: {  	s31 =	sshll.u32 s1, $0xD;
	s1 =	sshrl.u32 s1, $0x2  }
0xbc: {  	s3 =	sand.u32 $0x4000, s31;
	s1 =	sadd.s32 s1, s30  }
0xbd: {  	s0 =	sor.u32 s3, s0;
	s1 =	sshll.u32 s1, $0x11  }
0xbe: {  	s0 =	sor.u32 s1, s0  }
0xbf: {  	s0 =	sadd.s32 $0x8F2B, s0  }
0xc0: {  	[sflag:s0] =	ssyncadd.remote.s32 $0x1  }
0xc1: {  	_ =	sfence.sel $0xFFFF  }
0xc2: {  	[dreg:$0x0] =	wrdreg $0xFFFFFFFF;
	(pc) =	sbr.abs _section_cstart, $3  }
0xc3: {  	[dreg:$0x1] =	wrdreg $0xFFFFFFFF  }
0xc4: {  	_ =	task.clear_ibuf [dreg:s9], $0x2FFFF;
	_ =	strace $0x9FFFFFFF  }
0xc5: {  	(tm) =	ssettm $0x7FFFFFFF  }
tec
execute0_lowered:
.L_overlay_start_1:
0x0: {  	(tag) =	ssettag $0x1  }
0x1: {  	s0 =	srdreg.scid  }
0x2: {  	s5 =	sand.u32 $0x1, s0;
	s0 =	stileid.u32  }
0x3: {  	s6 =	sor.u32 s0, s5  }
0x4: {  	p0 =	sne.s32 s6, $0x0  }
.Ltmp0:
0x5: {  	_ = 	snop;
	(pc) =	sbr.rel @p0 .LBB2_5-.Ltmp0, $4  }
0x6: {  	s1 =	rddreg [dreg:$0x0]  }
0x7: {  	s3 =	rddreg [dreg:$0x1]  }
0x8: {  	s4 =	rddreg [dreg:$0x2]  }
0x9: {  	s2 =	rddreg [dreg:$0x3];
	_ =	strace $0x80000047  }
0xa: {  	s5 =	ssub.s32 $0x2, s5  }
0xb: {  	s7 =	simm.s32 $0x2;
	s8 =	simm.s32 $0x80;
	s9 =	simm.s32 $0x100  }
0xc: {  	s10 =	simm.s32 $0x48;
	s11 =	simm.s32 $0x4100;
	s12 =	simm.s32 $0x1  }
0xd: {  	s13 =	simm.s32 $0x6500;
	s14 =	simm.s32 $0x0;
	s6 =	sshrl.u32 s5, $0x1  }
0xe: {  	s17 =	simm.s32 $0x0;
	s5 =	ssub.s32 s5, s6;
	s6 =	simm.s32 $0x0  }
.LBB2_2:
0xf: {  	[tilespmem:s6], [sflag:$0x2] =	stream.linear.gather [hbm4b:s1+s6], $0x100, $0x38;
	[tilespmem:$0x6580] =	vst v63  }
0x10: {  	_ =	swait.ge [sflag:s7], $0x100  }
0x11: {  	[sflag:s7] =	ssyncset.done $0x0  }
0x12: {  	[sflag:s7] =	ssyncadd.s32 $0xFFFFFF00  }
0x13: {  	[tilespmem:s9], [sflag:$0x1] =	stream.indirect.gather [hbm4b:s3+s8], $0x80, s6, s8, $0xb8;
	[tilespmem:$0x6580] =	vst v63  }
0x14: {  	_ = 	snop  }
0x15: {  	[tilespmem:s11], [sflag:$0x1] =	stream.indirect.gather [hbm4b:s3+s10], $0x80, s8, s10, $0xb8;
	[tilespmem:$0x6580] =	vst v63  }
0x16: {  	_ =	swait.ge [sflag:s12], $0x4000  }
0x17: {  	[sflag:s12] =	ssyncset.done $0x0  }
0x18: {  	[sflag:s12] =	ssyncadd.s32 $0xFFFFC000  }
0x19: {  	_ =	swait.ge [sflag:s12], $0x2400  }
0x1a: {  	[sflag:s12] =	ssyncset.done $0x0  }
0x1b: {  	[sflag:s12] =	ssyncadd.s32 $0xFFFFDC00  }
0x1c: {  	v0 =	vld [tilespmem:s17+$0x170]  }
0x1d: {  	v2 =	vld [tilespmem:s17+$0x100]  }
0x1e: {  	v3 =	vld [tilespmem:s17+$0x110]  }
0x1f: {  	v12 =	vld [tilespmem:s17+$0x120]  }
0x20: {  	v10 =	vld [tilespmem:s17+$0x130]  }
0x21: {  	v1 =	vimm.f32 $0.0e+00;
	v6 =	vimm.f32 $0.0e+00;
	v7 =	vld [tilespmem:s17+$0x140]  }
0x22: {  	v9 =	vimm.f32 $0.0e+00;
	v8 =	vld [tilespmem:s17+$0x150];
	v0 =	vadd.f32 v0, v1;
	v5 =	vadd.f32 v2, v1  }
0x23: {  	s15 =	simm.s32 $0x80;
	s16 =	simm.s32 $0x400;
	v11 =	vld [tilespmem:s17+$0x160];
	v4 =	vadd.f32 v3, v1;
	v3 =	vimm.f32 $0.0e+00;
	v2 =	vimm.f32 $0.0e+00  }
.LBB2_3:
0x24: {  	p0 =	sne.s32 s16, $0x18E00;
	v13 =	vld [tilespmem:s15+$0x170];
	v1 =	vadd.f32 v12, v1  }
0x25: {  	v14 =	vld [tilespmem:s15+$0x100];
	v6 =	vadd.f32 v10, v6  }
0x26: {  	v15 =	vld [tilespmem:s15+$0x110];
	v9 =	vadd.f32 v7, v9  }
.Ltmp1:
0x27: {  	v12 =	vld [tilespmem:s15+$0x120];
	v3 =	vadd.f32 v8, v3;
	(pc) =	sbr.rel @p0 .LBB2_3-.Ltmp1, $4  }
0x28: {  	v10 =	vld [tilespmem:s15+$0x130];
	v2 =	vadd.f32 v11, v2  }
0x29: {  	v7 =	vld [tilespmem:s15+$0x140];
	v0 =	vadd.f32 v13, v0  }
0x2a: {  	v5 =	vadd.f32 v14, v5;
	v8 =	vld [tilespmem:s15+$0x150]  }
0x2b: {  	v4 =	vadd.f32 v15, v4;
	v11 =	vld [tilespmem:s15+$0x160];
	s15 =	sshra.s32 s16, $0x2;
	s16 =	sadd.s32 $0x200, s16  }
0x2c: {  	v13 =	vld [tilespmem:s15+$0x100]  }
0x2d: {  	v14 =	vld [tilespmem:s15+$0x110]  }
0x2e: {  	v15 =	vld [tilespmem:s15+$0x120]  }
0x2f: {  	v16 =	vld [tilespmem:s15+$0x130]  }
0x30: {  	v17 =	vld [tilespmem:s15+$0x140]  }
0x31: {  	v1 =	vadd.f32 v12, v1;
	v58 =	vld [tilespmem:s15+$0x150];
	v5 =	vadd.f32 v13, v5  }
0x32: {  	v60 =	vld [tilespmem:s15+$0x170];
	v6 =	vadd.f32 v10, v6;
	v4 =	vadd.f32 v14, v4  }
0x33: {  	v59 =	vld [tilespmem:s15+$0x160];
	v7 =	vadd.f32 v7, v9;
	v1 =	vadd.f32 v15, v1;
	v5 =	vmul.f32 $4.999999890e-03, v5  }
0x34: {  	v3 =	vadd.f32 v8, v3;
	v6 =	vadd.f32 v16, v6;
	v4 =	vmul.f32 $4.999999890e-03, v4  }
0x35: {  	v7 =	vadd.f32 v17, v7;
	v1 =	vmul.f32 $4.999999890e-03, v1;
	[tilespmem:$0x6500] =	vst v5  }
0x36: {  	v2 =	vadd.f32 v11, v2;
	v3 =	vadd.f32 v58, v3;
	v61 =	vmul.f32 $4.999999890e-03, v6;
	[tilespmem:$0x6510] =	vst v4  }
0x37: {  	v0 =	vadd.f32 v60, v0;
	v62 =	vmul.f32 $4.999999890e-03, v7;
	[tilespmem:$0x6520] =	vst v1  }
0x38: {  	v2 =	vadd.f32 v59, v2;
	v3 =	vmul.f32 $4.999999890e-03, v3;
	[tilespmem:$0x6530] =	vst v61  }
0x39: {  	v0 =	vmul.f32 $4.999999890e-03, v0;
	[tilespmem:$0x6540] =	vst v62  }
0x3a: {  	s14 =	sadd.s32 $0x1, s14;
	v63 =	vmul.f32 $4.999999890e-03, v2;
	[tilespmem:$0x6550] =	vst v3  }
0x3b: {  	p0 =	sne.s32 s14, s5;
	[tilespmem:$0x6570] =	vst v0  }
.Ltmp2:
0x3c: {  	[tilespmem:$0x6560] =	vst v63;
	(pc) =	sbr.rel @p0 .LBB2_2-.Ltmp2, $4  }
0x3d: {  	[hbm4b:s4+s6] =	stream.linear.scatter [tilespmem:s13], [sflag:$0x2], $0x80, $0x38;
	[tilespmem:$0x6580] =	vst v63  }
0x3e: {  	_ =	swait.ge [sflag:s7], $0x80  }
0x3f: {  	[sflag:s7] =	ssyncset.done $0x0  }
0x40: {  	[sflag:s7] =	ssyncadd.s32 $0xFFFFFF80  }
.LBB2_5:
0x41: {  	_ =	sfence.sel $0x180000  }
0x42: {  	[bflag:$0x0] =	sbarrier.arrive $0xFFFF  }
0x43: {  	p0 =	sne.s32 s0, $0x0;
	_ =	strace $0x90000047  }
0x44: {  	s0 =	sadd.s32 @!p0 $0x100000, s2;
	[bflag:$0x2] =	sbarrier.arrive $0xFFFF  }
0x45: {  	[sflag:s0] =	ssyncadd.tile.s32 @!p0 $0x1;
	_ =	shalt  }
.Lfunc_end2:
_tile_overlayer_lowered:
.L_overlay_start_2:
0x46: {  	(tag) =	ssettag $0x2  }
0x47: {  	s0 =	rddreg [dreg:$0x0];
	s2 =	stileid.u32  }
0x48: {  	s1 =	rddreg [dreg:$0x1];
	p0 =	sne.s32 s2, $0x0  }
0x49: {  	s3 =	rddreg [dreg:$0x2];
	[bflag:$0x3] =	sbarrier.arrive $0xFFFF;
	s2 =	simm.s32 @!p0 $0x1C02  }
0x4a: {  	[timem:s3], [sflag:s2] =	dma.local @!p0 [hbm:s0], s1  }
0x4b: {  	s0 =	simm.s32 @!p0 $0x2  }
0x4c: {  	_ =	swait.ge @!p0 [sflag:s0], s1  }
0x4d: {  	s1 =	ssub.s32 @!p0 $0x0, s1;
	[sflag:s0] =	ssyncset.done @!p0 $0x0  }
0x4e: {  	[sflag:s0] =	ssyncadd.s32 @!p0 s1  }
0x4f: {  	[bflag:$0x3] =	sbarrier.arrive $0xFFFF  }
0x50: {  	_ =	shalt  }

</sc_bundles>
